<compile_context>
chip_gen: v7x
topology: tpu7x:2x2x1
jax: 0.10.2.dev20260603
libtpu: 0.0.44.dev20260713+nightly
codegen_flags: <defaults>
</compile_context>

<pallas_src>
import functools

import jax
import jax.numpy as jnp
from jax import lax
from jax.experimental import pallas as pl
from jax.experimental.pallas import tpu as pltpu, tpu_sc as plsc

N = 100000
D = 128
NC = 2
NS = 16
NW = NC * NS
BPW = 3200
CHUNK = 640
NPAD = NW * BPW


def _make_gather():
    mesh = plsc.VectorSubcoreMesh(core_axis_name="c", subcore_axis_name="s")

    @functools.partial(
        pl.kernel,
        mesh=mesh,
        out_type=jax.ShapeDtypeStruct((NPAD, D), jnp.float32),
        scratch_types=[
            pltpu.VMEM((CHUNK,), jnp.int32),
            pltpu.VMEM((CHUNK, D), jnp.float32),
            pltpu.SemaphoreType.DMA,
        ],
    )
    def k(x_hbm, idx_hbm, out_hbm, idx_v, rows_v, sem):
        wid = lax.axis_index("s") * NC + lax.axis_index("c")
        base = wid * BPW
        for j in range(BPW // CHUNK):
            off = base + j * CHUNK
            pltpu.sync_copy(idx_hbm.at[pl.ds(off, CHUNK)], idx_v)
            pltpu.async_copy(x_hbm.at[idx_v], rows_v, sem).wait()
            pltpu.sync_copy(rows_v, out_hbm.at[pl.ds(off, CHUNK)])

    return k


def kernel(x, node_types, W1, b1, W2, b2):
    perm = jnp.argsort(node_types)
    perm = jnp.concatenate(
        [perm, jnp.zeros((NPAD - N,), dtype=perm.dtype)]
    ).astype(jnp.int32)
    gathered = _make_gather()(x, perm)
    return gathered[:N]

# --- scband reference (transcript-rebuilt; emitter-appended) ---
"""Pipeline reference for scband-typed-attribute-encoder-46901042872936 (READ-ONLY COPY).

The authoritative reference and input builder live on the scoring server;
editing this copy changes nothing except your own understanding.
"""

import jax, jax.numpy as jnp
import numpy as np

N = 100000
D = 128   # max_feat_dim == input_dim for every type
H = 128   # hidden_dim
O = 128   # output_dim
T = 4     # number of node types


def setup_inputs(seed: int = 0) -> dict:
    key = jax.random.key(seed)
    ks = jax.random.split(key, 7)
    x = jax.random.normal(ks[0], (N, D), dtype=jnp.float32)
    node_types = jax.random.randint(ks[1], (N,), 0, T, dtype=jnp.int32)
    # Per-type MLP parameters (num_layers=2): Linear(D->H), ReLU, (Dropout eval no-op), Linear(H->O)
    W1 = jax.random.normal(ks[2], (T, H, D), dtype=jnp.float32) * (1.0 / np.sqrt(D))
    b1 = jax.random.normal(ks[3], (T, H), dtype=jnp.float32) * 0.01
    W2 = jax.random.normal(ks[4], (T, O, H), dtype=jnp.float32) * (1.0 / np.sqrt(H))
    b2 = jax.random.normal(ks[5], (T, O), dtype=jnp.float32) * 0.01
    return {"x": x, "node_types": node_types, "W1": W1, "b1": b1, "W2": W2, "b2": b2}


def reference(x, node_types, W1, b1, W2, b2):
    # embeddings = zeros; for each type: embeddings[mask] = MLP_t(x[mask][:, :input_dim])
    # Equivalent jit-friendly form: compute MLP_t over all rows, select with where.
    emb = jnp.zeros((x.shape[0], O), dtype=x.dtype)
    for t in range(T):
        feats = x[:, :D]  # input_dim slice (full width here)
        h = jnp.maximum(feats @ W1[t].T + b1[t], 0.0)  # Linear + ReLU (dropout is eval no-op)
        o = h @ W2[t].T + b2[t]
        mask = (node_types == t)[:, None]
        emb = jnp.where(mask, o, emb)
    return emb

if __name__ == "__main__":
    import jax
    _d = setup_inputs()
    print(jax.jit(kernel)(*tuple(_d.values())))

</pallas_src>

<mosaic_0001>
#map = affine_map<(d0, d1) -> (0, 0)>
#map1 = affine_map<(d0, d1) -> (0)>
module attributes {stable_mosaic.version = 14 : i64} {
  func.func @k(%arg0: i32, %arg1: i32, %arg2: memref<100000x128xf32, #tpu.memory_space<hbm>>, %arg3: memref<102400xi32, #tpu.memory_space<hbm>>, %arg4: memref<102400x128xf32, #tpu.memory_space<hbm>>, %arg5: memref<640xi32, #tpu.memory_space<vmem>>, %arg6: memref<640x128xf32, #tpu.memory_space<vmem>>, %arg7: memref<!tpu.dma_semaphore, #tpu.memory_space<semaphore_mem>>) attributes {dimension_semantics = [#tpu.dimension_semantics<core_parallel>, #tpu.dimension_semantics<subcore_parallel>], iteration_bounds = array<i64: 2, 16>, scalar_prefetch = 0 : i64, scratch_operands = 3 : i64, tpu.core_type = #tpu.core_type<sc_vector_subcore>, window_params = [{transform_indices = #map}, {transform_indices = #map1}, {transform_indices = #map}]} {
    %mul3A = arith.constant 2 : i32
    %mul3A_0 = arith.muli %arg1, %mul3A : i32
    %add3A = arith.addi %mul3A_0, %arg0 : i32
    %mul3A_1 = arith.constant 3200 : i32
    %mul3A_2 = arith.muli %add3A, %mul3A_1 : i32
    %add3A_3 = arith.constant 0 : i32
    %add3A_4 = arith.addi %mul3A_2, %add3A_3 : i32
    "tpu.region"() ({
      %run_scoped3A = tpu.sem_alloc : memref<!tpu.dma_semaphore, #tpu.memory_space<semaphore_mem>>
      %dma_start3A_41 = tpu.memref_slice %arg3[%add3A_4] : memref<102400xi32, #tpu.memory_space<hbm>> -> memref<640xi32, #tpu.memory_space<hbm>>
      %dma_start3A_42 = tpu.memref_slice %arg3[%add3A_4] : memref<102400xi32, #tpu.memory_space<hbm>> -> memref<640xi32, #tpu.memory_space<hbm>>
      tpu.enqueue_dma source(%dma_start3A_42 : memref<640xi32, #tpu.memory_space<hbm>>) target(%arg5 : memref<640xi32, #tpu.memory_space<vmem>>) target_semaphore(%run_scoped3A : memref<!tpu.dma_semaphore, #tpu.memory_space<semaphore_mem>>)
      %dma_wait3A_43 = tpu.memref_slice %arg3[%add3A_4] : memref<102400xi32, #tpu.memory_space<hbm>> -> memref<640xi32, #tpu.memory_space<hbm>>
      %dma_wait3A_44 = tpu.memref_slice %arg3[%add3A_4] : memref<102400xi32, #tpu.memory_space<hbm>> -> memref<640xi32, #tpu.memory_space<hbm>>
      tpu.wait_dma2 semaphore(%run_scoped3A : memref<!tpu.dma_semaphore, #tpu.memory_space<semaphore_mem>>) src(%dma_wait3A_44 : memref<640xi32, #tpu.memory_space<hbm>>) dst(%arg5 : memref<640xi32, #tpu.memory_space<vmem>>)
      tpu.yield
    }) : () -> ()
    %dma_start3A = arith.constant 0 : i32
    %dma_start3A_5 = arith.constant 0 : i32
    %dma_start3A_6 = tpu.memref_slice %arg2[%dma_start3A, %dma_start3A_5] : memref<100000x128xf32, #tpu.memory_space<hbm>> -> memref<100000x128xf32, #tpu.memory_space<hbm>>
    tpu.enqueue_indirect_dma source(%dma_start3A_6 : memref<100000x128xf32, #tpu.memory_space<hbm>>) target(%arg6 : memref<640x128xf32, #tpu.memory_space<vmem>>) offsets(%arg5 : memref<640xi32, #tpu.memory_space<vmem>>) semaphore(%arg7 : memref<!tpu.dma_semaphore, #tpu.memory_space<semaphore_mem>>)
    %dma_wait3A = arith.constant 0 : i32
    %dma_wait3A_7 = arith.constant 0 : i32
    %dma_wait3A_8 = tpu.memref_slice %arg2[%dma_wait3A, %dma_wait3A_7] : memref<100000x128xf32, #tpu.memory_space<hbm>> -> memref<100000x128xf32, #tpu.memory_space<hbm>>
    tpu.wait_indirect_dma semaphore(%arg7 : memref<!tpu.dma_semaphore, #tpu.memory_space<semaphore_mem>>) src(%dma_wait3A_8 : memref<100000x128xf32, #tpu.memory_space<hbm>>) dst(%arg6 : memref<640x128xf32, #tpu.memory_space<vmem>>)
    "tpu.region"() ({
      %run_scoped3A = tpu.sem_alloc : memref<!tpu.dma_semaphore, #tpu.memory_space<semaphore_mem>>
      %dma_start3A_41 = arith.constant 0 : i32
      %dma_start3A_42 = tpu.memref_slice %arg4[%add3A_4, %dma_start3A_41] : memref<102400x128xf32, #tpu.memory_space<hbm>> -> memref<640x128xf32, #tpu.memory_space<hbm>>
      %dma_start3A_43 = arith.constant 0 : i32
      %dma_start3A_44 = tpu.memref_slice %arg4[%add3A_4, %dma_start3A_43] : memref<102400x128xf32, #tpu.memory_space<hbm>> -> memref<640x128xf32, #tpu.memory_space<hbm>>
      tpu.enqueue_dma source(%arg6 : memref<640x128xf32, #tpu.memory_space<vmem>>) target(%dma_start3A_44 : memref<640x128xf32, #tpu.memory_space<hbm>>) target_semaphore(%run_scoped3A : memref<!tpu.dma_semaphore, #tpu.memory_space<semaphore_mem>>)
      %dma_wait3A_45 = arith.constant 0 : i32
      %dma_wait3A_46 = tpu.memref_slice %arg4[%add3A_4, %dma_wait3A_45] : memref<102400x128xf32, #tpu.memory_space<hbm>> -> memref<640x128xf32, #tpu.memory_space<hbm>>
      %dma_wait3A_47 = arith.constant 0 : i32
      %dma_wait3A_48 = tpu.memref_slice %arg4[%add3A_4, %dma_wait3A_47] : memref<102400x128xf32, #tpu.memory_space<hbm>> -> memref<640x128xf32, #tpu.memory_space<hbm>>
      tpu.wait_dma2 semaphore(%run_scoped3A : memref<!tpu.dma_semaphore, #tpu.memory_space<semaphore_mem>>) src(%arg6 : memref<640x128xf32, #tpu.memory_space<vmem>>) dst(%dma_wait3A_48 : memref<640x128xf32, #tpu.memory_space<hbm>>)
      tpu.yield
    }) : () -> ()
    %add3A_9 = arith.constant 640 : i32
    %add3A_10 = arith.addi %mul3A_2, %add3A_9 : i32
    "tpu.region"() ({
      %run_scoped3A = tpu.sem_alloc : memref<!tpu.dma_semaphore, #tpu.memory_space<semaphore_mem>>
      %dma_start3A_41 = tpu.memref_slice %arg3[%add3A_10] : memref<102400xi32, #tpu.memory_space<hbm>> -> memref<640xi32, #tpu.memory_space<hbm>>
      %dma_start3A_42 = tpu.memref_slice %arg3[%add3A_10] : memref<102400xi32, #tpu.memory_space<hbm>> -> memref<640xi32, #tpu.memory_space<hbm>>
      tpu.enqueue_dma source(%dma_start3A_42 : memref<640xi32, #tpu.memory_space<hbm>>) target(%arg5 : memref<640xi32, #tpu.memory_space<vmem>>) target_semaphore(%run_scoped3A : memref<!tpu.dma_semaphore, #tpu.memory_space<semaphore_mem>>)
      %dma_wait3A_43 = tpu.memref_slice %arg3[%add3A_10] : memref<102400xi32, #tpu.memory_space<hbm>> -> memref<640xi32, #tpu.memory_space<hbm>>
      %dma_wait3A_44 = tpu.memref_slice %arg3[%add3A_10] : memref<102400xi32, #tpu.memory_space<hbm>> -> memref<640xi32, #tpu.memory_space<hbm>>
      tpu.wait_dma2 semaphore(%run_scoped3A : memref<!tpu.dma_semaphore, #tpu.memory_space<semaphore_mem>>) src(%dma_wait3A_44 : memref<640xi32, #tpu.memory_space<hbm>>) dst(%arg5 : memref<640xi32, #tpu.memory_space<vmem>>)
      tpu.yield
    }) : () -> ()
    %dma_start3A_11 = arith.constant 0 : i32
    %dma_start3A_12 = arith.constant 0 : i32
    %dma_start3A_13 = tpu.memref_slice %arg2[%dma_start3A_11, %dma_start3A_12] : memref<100000x128xf32, #tpu.memory_space<hbm>> -> memref<100000x128xf32, #tpu.memory_space<hbm>>
    tpu.enqueue_indirect_dma source(%dma_start3A_13 : memref<100000x128xf32, #tpu.memory_space<hbm>>) target(%arg6 : memref<640x128xf32, #tpu.memory_space<vmem>>) offsets(%arg5 : memref<640xi32, #tpu.memory_space<vmem>>) semaphore(%arg7 : memref<!tpu.dma_semaphore, #tpu.memory_space<semaphore_mem>>)
    %dma_wait3A_14 = arith.constant 0 : i32
    %dma_wait3A_15 = arith.constant 0 : i32
    %dma_wait3A_16 = tpu.memref_slice %arg2[%dma_wait3A_14, %dma_wait3A_15] : memref<100000x128xf32, #tpu.memory_space<hbm>> -> memref<100000x128xf32, #tpu.memory_space<hbm>>
    tpu.wait_indirect_dma semaphore(%arg7 : memref<!tpu.dma_semaphore, #tpu.memory_space<semaphore_mem>>) src(%dma_wait3A_16 : memref<100000x128xf32, #tpu.memory_space<hbm>>) dst(%arg6 : memref<640x128xf32, #tpu.memory_space<vmem>>)
    "tpu.region"() ({
      %run_scoped3A = tpu.sem_alloc : memref<!tpu.dma_semaphore, #tpu.memory_space<semaphore_mem>>
      %dma_start3A_41 = arith.constant 0 : i32
      %dma_start3A_42 = tpu.memref_slice %arg4[%add3A_10, %dma_start3A_41] : memref<102400x128xf32, #tpu.memory_space<hbm>> -> memref<640x128xf32, #tpu.memory_space<hbm>>
      %dma_start3A_43 = arith.constant 0 : i32
      %dma_start3A_44 = tpu.memref_slice %arg4[%add3A_10, %dma_start3A_43] : memref<102400x128xf32, #tpu.memory_space<hbm>> -> memref<640x128xf32, #tpu.memory_space<hbm>>
      tpu.enqueue_dma source(%arg6 : memref<640x128xf32, #tpu.memory_space<vmem>>) target(%dma_start3A_44 : memref<640x128xf32, #tpu.memory_space<hbm>>) target_semaphore(%run_scoped3A : memref<!tpu.dma_semaphore, #tpu.memory_space<semaphore_mem>>)
      %dma_wait3A_45 = arith.constant 0 : i32
      %dma_wait3A_46 = tpu.memref_slice %arg4[%add3A_10, %dma_wait3A_45] : memref<102400x128xf32, #tpu.memory_space<hbm>> -> memref<640x128xf32, #tpu.memory_space<hbm>>
      %dma_wait3A_47 = arith.constant 0 : i32
      %dma_wait3A_48 = tpu.memref_slice %arg4[%add3A_10, %dma_wait3A_47] : memref<102400x128xf32, #tpu.memory_space<hbm>> -> memref<640x128xf32, #tpu.memory_space<hbm>>
      tpu.wait_dma2 semaphore(%run_scoped3A : memref<!tpu.dma_semaphore, #tpu.memory_space<semaphore_mem>>) src(%arg6 : memref<640x128xf32, #tpu.memory_space<vmem>>) dst(%dma_wait3A_48 : memref<640x128xf32, #tpu.memory_space<hbm>>)
      tpu.yield
    }) : () -> ()
    %add3A_17 = arith.constant 1280 : i32
    %add3A_18 = arith.addi %mul3A_2, %add3A_17 : i32
    "tpu.region"() ({
      %run_scoped3A = tpu.sem_alloc : memref<!tpu.dma_semaphore, #tpu.memory_space<semaphore_mem>>
      %dma_start3A_41 = tpu.memref_slice %arg3[%add3A_18] : memref<102400xi32, #tpu.memory_space<hbm>> -> memref<640xi32, #tpu.memory_space<hbm>>
      %dma_start3A_42 = tpu.memref_slice %arg3[%add3A_18] : memref<102400xi32, #tpu.memory_space<hbm>> -> memref<640xi32, #tpu.memory_space<hbm>>
      tpu.enqueue_dma source(%dma_start3A_42 : memref<640xi32, #tpu.memory_space<hbm>>) target(%arg5 : memref<640xi32, #tpu.memory_space<vmem>>) target_semaphore(%run_scoped3A : memref<!tpu.dma_semaphore, #tpu.memory_space<semaphore_mem>>)
      %dma_wait3A_43 = tpu.memref_slice %arg3[%add3A_18] : memref<102400xi32, #tpu.memory_space<hbm>> -> memref<640xi32, #tpu.memory_space<hbm>>
      %dma_wait3A_44 = tpu.memref_slice %arg3[%add3A_18] : memref<102400xi32, #tpu.memory_space<hbm>> -> memref<640xi32, #tpu.memory_space<hbm>>
      tpu.wait_dma2 semaphore(%run_scoped3A : memref<!tpu.dma_semaphore, #tpu.memory_space<semaphore_mem>>) src(%dma_wait3A_44 : memref<640xi32, #tpu.memory_space<hbm>>) dst(%arg5 : memref<640xi32, #tpu.memory_space<vmem>>)
      tpu.yield
    }) : () -> ()
    %dma_start3A_19 = arith.constant 0 : i32
    %dma_start3A_20 = arith.constant 0 : i32
    %dma_start3A_21 = tpu.memref_slice %arg2[%dma_start3A_19, %dma_start3A_20] : memref<100000x128xf32, #tpu.memory_space<hbm>> -> memref<100000x128xf32, #tpu.memory_space<hbm>>
    tpu.enqueue_indirect_dma source(%dma_start3A_21 : memref<100000x128xf32, #tpu.memory_space<hbm>>) target(%arg6 : memref<640x128xf32, #tpu.memory_space<vmem>>) offsets(%arg5 : memref<640xi32, #tpu.memory_space<vmem>>) semaphore(%arg7 : memref<!tpu.dma_semaphore, #tpu.memory_space<semaphore_mem>>)
    %dma_wait3A_22 = arith.constant 0 : i32
    %dma_wait3A_23 = arith.constant 0 : i32
    %dma_wait3A_24 = tpu.memref_slice %arg2[%dma_wait3A_22, %dma_wait3A_23] : memref<100000x128xf32, #tpu.memory_space<hbm>> -> memref<100000x128xf32, #tpu.memory_space<hbm>>
    tpu.wait_indirect_dma semaphore(%arg7 : memref<!tpu.dma_semaphore, #tpu.memory_space<semaphore_mem>>) src(%dma_wait3A_24 : memref<100000x128xf32, #tpu.memory_space<hbm>>) dst(%arg6 : memref<640x128xf32, #tpu.memory_space<vmem>>)
    "tpu.region"() ({
      %run_scoped3A = tpu.sem_alloc : memref<!tpu.dma_semaphore, #tpu.memory_space<semaphore_mem>>
      %dma_start3A_41 = arith.constant 0 : i32
      %dma_start3A_42 = tpu.memref_slice %arg4[%add3A_18, %dma_start3A_41] : memref<102400x128xf32, #tpu.memory_space<hbm>> -> memref<640x128xf32, #tpu.memory_space<hbm>>
      %dma_start3A_43 = arith.constant 0 : i32
      %dma_start3A_44 = tpu.memref_slice %arg4[%add3A_18, %dma_start3A_43] : memref<102400x128xf32, #tpu.memory_space<hbm>> -> memref<640x128xf32, #tpu.memory_space<hbm>>
      tpu.enqueue_dma source(%arg6 : memref<640x128xf32, #tpu.memory_space<vmem>>) target(%dma_start3A_44 : memref<640x128xf32, #tpu.memory_space<hbm>>) target_semaphore(%run_scoped3A : memref<!tpu.dma_semaphore, #tpu.memory_space<semaphore_mem>>)
      %dma_wait3A_45 = arith.constant 0 : i32
      %dma_wait3A_46 = tpu.memref_slice %arg4[%add3A_18, %dma_wait3A_45] : memref<102400x128xf32, #tpu.memory_space<hbm>> -> memref<640x128xf32, #tpu.memory_space<hbm>>
      %dma_wait3A_47 = arith.constant 0 : i32
      %dma_wait3A_48 = tpu.memref_slice %arg4[%add3A_18, %dma_wait3A_47] : memref<102400x128xf32, #tpu.memory_space<hbm>> -> memref<640x128xf32, #tpu.memory_space<hbm>>
      tpu.wait_dma2 semaphore(%run_scoped3A : memref<!tpu.dma_semaphore, #tpu.memory_space<semaphore_mem>>) src(%arg6 : memref<640x128xf32, #tpu.memory_space<vmem>>) dst(%dma_wait3A_48 : memref<640x128xf32, #tpu.memory_space<hbm>>)
      tpu.yield
    }) : () -> ()
    %add3A_25 = arith.constant 1920 : i32
    %add3A_26 = arith.addi %mul3A_2, %add3A_25 : i32
    "tpu.region"() ({
      %run_scoped3A = tpu.sem_alloc : memref<!tpu.dma_semaphore, #tpu.memory_space<semaphore_mem>>
      %dma_start3A_41 = tpu.memref_slice %arg3[%add3A_26] : memref<102400xi32, #tpu.memory_space<hbm>> -> memref<640xi32, #tpu.memory_space<hbm>>
      %dma_start3A_42 = tpu.memref_slice %arg3[%add3A_26] : memref<102400xi32, #tpu.memory_space<hbm>> -> memref<640xi32, #tpu.memory_space<hbm>>
      tpu.enqueue_dma source(%dma_start3A_42 : memref<640xi32, #tpu.memory_space<hbm>>) target(%arg5 : memref<640xi32, #tpu.memory_space<vmem>>) target_semaphore(%run_scoped3A : memref<!tpu.dma_semaphore, #tpu.memory_space<semaphore_mem>>)
      %dma_wait3A_43 = tpu.memref_slice %arg3[%add3A_26] : memref<102400xi32, #tpu.memory_space<hbm>> -> memref<640xi32, #tpu.memory_space<hbm>>
      %dma_wait3A_44 = tpu.memref_slice %arg3[%add3A_26] : memref<102400xi32, #tpu.memory_space<hbm>> -> memref<640xi32, #tpu.memory_space<hbm>>
      tpu.wait_dma2 semaphore(%run_scoped3A : memref<!tpu.dma_semaphore, #tpu.memory_space<semaphore_mem>>) src(%dma_wait3A_44 : memref<640xi32, #tpu.memory_space<hbm>>) dst(%arg5 : memref<640xi32, #tpu.memory_space<vmem>>)
      tpu.yield
    }) : () -> ()
    %dma_start3A_27 = arith.constant 0 : i32
    %dma_start3A_28 = arith.constant 0 : i32
    %dma_start3A_29 = tpu.memref_slice %arg2[%dma_start3A_27, %dma_start3A_28] : memref<100000x128xf32, #tpu.memory_space<hbm>> -> memref<100000x128xf32, #tpu.memory_space<hbm>>
    tpu.enqueue_indirect_dma source(%dma_start3A_29 : memref<100000x128xf32, #tpu.memory_space<hbm>>) target(%arg6 : memref<640x128xf32, #tpu.memory_space<vmem>>) offsets(%arg5 : memref<640xi32, #tpu.memory_space<vmem>>) semaphore(%arg7 : memref<!tpu.dma_semaphore, #tpu.memory_space<semaphore_mem>>)
    %dma_wait3A_30 = arith.constant 0 : i32
    %dma_wait3A_31 = arith.constant 0 : i32
    %dma_wait3A_32 = tpu.memref_slice %arg2[%dma_wait3A_30, %dma_wait3A_31] : memref<100000x128xf32, #tpu.memory_space<hbm>> -> memref<100000x128xf32, #tpu.memory_space<hbm>>
    tpu.wait_indirect_dma semaphore(%arg7 : memref<!tpu.dma_semaphore, #tpu.memory_space<semaphore_mem>>) src(%dma_wait3A_32 : memref<100000x128xf32, #tpu.memory_space<hbm>>) dst(%arg6 : memref<640x128xf32, #tpu.memory_space<vmem>>)
    "tpu.region"() ({
      %run_scoped3A = tpu.sem_alloc : memref<!tpu.dma_semaphore, #tpu.memory_space<semaphore_mem>>
      %dma_start3A_41 = arith.constant 0 : i32
      %dma_start3A_42 = tpu.memref_slice %arg4[%add3A_26, %dma_start3A_41] : memref<102400x128xf32, #tpu.memory_space<hbm>> -> memref<640x128xf32, #tpu.memory_space<hbm>>
      %dma_start3A_43 = arith.constant 0 : i32
      %dma_start3A_44 = tpu.memref_slice %arg4[%add3A_26, %dma_start3A_43] : memref<102400x128xf32, #tpu.memory_space<hbm>> -> memref<640x128xf32, #tpu.memory_space<hbm>>
      tpu.enqueue_dma source(%arg6 : memref<640x128xf32, #tpu.memory_space<vmem>>) target(%dma_start3A_44 : memref<640x128xf32, #tpu.memory_space<hbm>>) target_semaphore(%run_scoped3A : memref<!tpu.dma_semaphore, #tpu.memory_space<semaphore_mem>>)
      %dma_wait3A_45 = arith.constant 0 : i32
      %dma_wait3A_46 = tpu.memref_slice %arg4[%add3A_26, %dma_wait3A_45] : memref<102400x128xf32, #tpu.memory_space<hbm>> -> memref<640x128xf32, #tpu.memory_space<hbm>>
      %dma_wait3A_47 = arith.constant 0 : i32
      %dma_wait3A_48 = tpu.memref_slice %arg4[%add3A_26, %dma_wait3A_47] : memref<102400x128xf32, #tpu.memory_space<hbm>> -> memref<640x128xf32, #tpu.memory_space<hbm>>
      tpu.wait_dma2 semaphore(%run_scoped3A : memref<!tpu.dma_semaphore, #tpu.memory_space<semaphore_mem>>) src(%arg6 : memref<640x128xf32, #tpu.memory_space<vmem>>) dst(%dma_wait3A_48 : memref<640x128xf32, #tpu.memory_space<hbm>>)
      tpu.yield
    }) : () -> ()
    %add3A_33 = arith.constant 2560 : i32
    %add3A_34 = arith.addi %mul3A_2, %add3A_33 : i32
    "tpu.region"() ({
      %run_scoped3A = tpu.sem_alloc : memref<!tpu.dma_semaphore, #tpu.memory_space<semaphore_mem>>
      %dma_start3A_41 = tpu.memref_slice %arg3[%add3A_34] : memref<102400xi32, #tpu.memory_space<hbm>> -> memref<640xi32, #tpu.memory_space<hbm>>
      %dma_start3A_42 = tpu.memref_slice %arg3[%add3A_34] : memref<102400xi32, #tpu.memory_space<hbm>> -> memref<640xi32, #tpu.memory_space<hbm>>
      tpu.enqueue_dma source(%dma_start3A_42 : memref<640xi32, #tpu.memory_space<hbm>>) target(%arg5 : memref<640xi32, #tpu.memory_space<vmem>>) target_semaphore(%run_scoped3A : memref<!tpu.dma_semaphore, #tpu.memory_space<semaphore_mem>>)
      %dma_wait3A_43 = tpu.memref_slice %arg3[%add3A_34] : memref<102400xi32, #tpu.memory_space<hbm>> -> memref<640xi32, #tpu.memory_space<hbm>>
      %dma_wait3A_44 = tpu.memref_slice %arg3[%add3A_34] : memref<102400xi32, #tpu.memory_space<hbm>> -> memref<640xi32, #tpu.memory_space<hbm>>
      tpu.wait_dma2 semaphore(%run_scoped3A : memref<!tpu.dma_semaphore, #tpu.memory_space<semaphore_mem>>) src(%dma_wait3A_44 : memref<640xi32, #tpu.memory_space<hbm>>) dst(%arg5 : memref<640xi32, #tpu.memory_space<vmem>>)
      tpu.yield
    }) : () -> ()
    %dma_start3A_35 = arith.constant 0 : i32
    %dma_start3A_36 = arith.constant 0 : i32
    %dma_start3A_37 = tpu.memref_slice %arg2[%dma_start3A_35, %dma_start3A_36] : memref<100000x128xf32, #tpu.memory_space<hbm>> -> memref<100000x128xf32, #tpu.memory_space<hbm>>
    tpu.enqueue_indirect_dma source(%dma_start3A_37 : memref<100000x128xf32, #tpu.memory_space<hbm>>) target(%arg6 : memref<640x128xf32, #tpu.memory_space<vmem>>) offsets(%arg5 : memref<640xi32, #tpu.memory_space<vmem>>) semaphore(%arg7 : memref<!tpu.dma_semaphore, #tpu.memory_space<semaphore_mem>>)
    %dma_wait3A_38 = arith.constant 0 : i32
    %dma_wait3A_39 = arith.constant 0 : i32
    %dma_wait3A_40 = tpu.memref_slice %arg2[%dma_wait3A_38, %dma_wait3A_39] : memref<100000x128xf32, #tpu.memory_space<hbm>> -> memref<100000x128xf32, #tpu.memory_space<hbm>>
    tpu.wait_indirect_dma semaphore(%arg7 : memref<!tpu.dma_semaphore, #tpu.memory_space<semaphore_mem>>) src(%dma_wait3A_40 : memref<100000x128xf32, #tpu.memory_space<hbm>>) dst(%arg6 : memref<640x128xf32, #tpu.memory_space<vmem>>)
    "tpu.region"() ({
      %run_scoped3A = tpu.sem_alloc : memref<!tpu.dma_semaphore, #tpu.memory_space<semaphore_mem>>
      %dma_start3A_41 = arith.constant 0 : i32
      %dma_start3A_42 = tpu.memref_slice %arg4[%add3A_34, %dma_start3A_41] : memref<102400x128xf32, #tpu.memory_space<hbm>> -> memref<640x128xf32, #tpu.memory_space<hbm>>
      %dma_start3A_43 = arith.constant 0 : i32
      %dma_start3A_44 = tpu.memref_slice %arg4[%add3A_34, %dma_start3A_43] : memref<102400x128xf32, #tpu.memory_space<hbm>> -> memref<640x128xf32, #tpu.memory_space<hbm>>
      tpu.enqueue_dma source(%arg6 : memref<640x128xf32, #tpu.memory_space<vmem>>) target(%dma_start3A_44 : memref<640x128xf32, #tpu.memory_space<hbm>>) target_semaphore(%run_scoped3A : memref<!tpu.dma_semaphore, #tpu.memory_space<semaphore_mem>>)
      %dma_wait3A_45 = arith.constant 0 : i32
      %dma_wait3A_46 = tpu.memref_slice %arg4[%add3A_34, %dma_wait3A_45] : memref<102400x128xf32, #tpu.memory_space<hbm>> -> memref<640x128xf32, #tpu.memory_space<hbm>>
      %dma_wait3A_47 = arith.constant 0 : i32
      %dma_wait3A_48 = tpu.memref_slice %arg4[%add3A_34, %dma_wait3A_47] : memref<102400x128xf32, #tpu.memory_space<hbm>> -> memref<640x128xf32, #tpu.memory_space<hbm>>
      tpu.wait_dma2 semaphore(%run_scoped3A : memref<!tpu.dma_semaphore, #tpu.memory_space<semaphore_mem>>) src(%arg6 : memref<640x128xf32, #tpu.memory_space<vmem>>) dst(%dma_wait3A_48 : memref<640x128xf32, #tpu.memory_space<hbm>>)
      tpu.yield
    }) : () -> ()
    return
  }
}

</mosaic_0001>

<sc_bundles>
// kernel: kernel.3.cloned.1.call-start
scs
__scs_entry_jumppad:
0x0: {  	(pc) =	sbr.rel $0x88, $3  }
0x1: {  	(tag) =	ssettag $0x0;
	lr =	simm.s32 $0x1  }
0x2: {  	[smem:$0x3F9F] =	sst lr;
	_ =	strace $0xD0000000  }
0x3: {  	_ = 	snop  }
0x4: {  	_ = 	snop  }
0x5: {  	_ = 	snop  }
0x6: {  	_ = 	snop  }
0x7: {  	_ = 	snop  }
__scs_overlays_trampoline_lowered:
0x8: {  	[smem:$0x3FAE] =	sst s0  }
0x9: {  	[smem:$0x3FAF] =	sst s1  }
0xa: {  	[smem:$0x3FB0] =	sst s2  }
0xb: {  	[smem:$0x3FB1] =	sst s3  }
0xc: {  	[smem:$0x3FB2] =	sst s4  }
0xd: {  	[smem:$0x3FB3] =	sst s5  }
0xe: {  	[smem:$0x3FB4] =	sst s6  }
0xf: {  	[smem:$0x3FB5] =	sst s7  }
0x10: {  	[smem:$0x3FB6] =	sst s8  }
0x11: {  	[smem:$0x3FB7] =	sst s9;
	s0 =	simm.s32 @!p0 $0x0  }
0x12: {  	s1 =	sld [smem:$0x3F9D];
	s0 =	simm.s32 @p0 $0x1  }
0x13: {  	[smem:$0x3FB8] =	sst s0;
	s0 =	simm.s32 @!p1 $0x0  }
0x14: {  	s2 =	sld [smem:$0x3F9C];
	s0 =	simm.s32 @p1 $0x1  }
0x15: {  	[smem:$0x3FB9] =	sst s0;
	s0 =	simm.s32 @!p2 $0x0  }
0x16: {  	s3 =	sld [smem:$0x3FDB];
	s0 =	simm.s32 @p2 $0x1  }
0x17: {  	s4 =	simm.s32 $0x1BF5;
	[smem:$0x3FBB] =	sst s0  }
0x18: {  	s0 =	sld [smem:$0x3F9E];
	_ =	swait.ge [sflag:s4], $0x0  }
0x19: {  	s7 =	sld [smem:$0x3F9F]  }
0x1a: {  	s8 =	sadd.s32 $0xFFFFE003, lr  }
0x1b: {  	s9 =	sadd.s32 $0xFFFFFEF7, lr;
	s5 =	simm.s32 $0xFFFFFFFF;
	p2 =	slt.u32 s8, $0xFFFFF086  }
0x1c: {  	p1 =	slt.u32 s9, $0xF7A;
	s5 =	simm.s32 @!p2 $0x0  }
0x1d: {  	s5 =	simm.s32 @p1 $0x1;
	p0 =	seq.s32 s7, s2  }
0x1e: {  	s7 =	smul.u32 @!p0 $0xF7A, s2;
	p2 =	seq.s32 @!p0 s5, $0x0  }
0x1f: {  	s9 =	smul.u32 $0xF7A, s1;
	s8 =	simm.s32 @!p0 $0x1BF5;
	p2 =	por !p2, p0  }
0x20: {  	[sflag:s8] =	ssyncset.s32 @!p0 $0xFFFFF086;
	s6 =	sadd.s32 @!p0 s3, s7;
	s7 =	simm.s32 @!p0 $0x108  }
0x21: {  	s3 =	sadd.s32 s3, s9;
	s6 =	sadd.s32 @!p0 $0x88, s6;
	s7 =	simm.s32 @p2 $0x1082  }
0x22: {  	[simem:s7], [sflag:s8] =	dma.local @!p0 [hbm:s6], $0xF7A  }
0x23: {  	s9 =	sor.u32 $0xD0000000, s2;
	s6 =	simm.s32 $0x108;
	_ =	swait.ge @!p0 [sflag:s8], $0x0  }
0x24: {  	s3 =	sadd.s32 $0x88, s3;
	s6 =	simm.s32 @!p1 $0x1082;
	[sflag:s4] =	ssyncset.s32 $0xFFFFF086  }
0x25: {  	[simem:s6], [sflag:s4] =	dma.local [hbm:s3], $0xF7A  }
0x26: {  	[smem:$0x3F9F] =	sst s1;
	(tag) =	ssettag s2;
	_ =	strace s9  }
0x27: {  	s1 =	sld [smem:$0x3FAF]  }
0x28: {  	s2 =	sld [smem:$0x3FB0]  }
0x29: {  	s4 =	sld [smem:$0x3FB2]  }
0x2a: {  	p0 =	seq.s32 s5, $0x0;
	s5 =	sld [smem:$0x3FB3]  }
0x2b: {  	s6 =	sld [smem:$0x3FB4]  }
0x2c: {  	s7 =	sld [smem:$0x3FB5]  }
0x2d: {  	s3 =	simm.s32 $0x108;
	s8 =	sld [smem:$0x3FB6]  }
0x2e: {  	s3 =	simm.s32 @!p0 $0x1082;
	s9 =	sld [smem:$0x3FB7]  }
0x2f: {  	lr =	sadd.s32 s0, s3;
	s0 =	sld [smem:$0x3FAE]  }
0x30: {  	s3 =	sld [smem:$0x3FB1]  }
0x31: {  	[smem:$0x3FBA] =	sst s10  }
0x32: {  	s10 =	sld [smem:$0x3FB8];
	_ =	sdelay $0x3  }
0x33: {  	p0 =	seq.s32 s10, $0x1;
	s10 =	sld [smem:$0x3FBA];
	_ =	sdelay $0x3  }
0x34: {  	[smem:$0x3FBA] =	sst s10  }
0x35: {  	s10 =	sld [smem:$0x3FB9];
	_ =	sdelay $0x3  }
0x36: {  	p1 =	seq.s32 s10, $0x1;
	s10 =	sld [smem:$0x3FBA];
	_ =	sdelay $0x3  }
0x37: {  	[smem:$0x3FBA] =	sst s10  }
0x38: {  	s10 =	sld [smem:$0x3FBB]  }
0x39: {  	_ = 	snop;
	(pc) =	sbr.ind lr, $3  }
0x3a: {  	_ = 	snop  }
0x3b: {  	_ = 	snop  }
0x3c: {  	p2 =	seq.s32 s10, $0x1;
	s10 =	sld [smem:$0x3FBA]  }
0x3d: {  	_ =	shalt  }
0x3e: {  	_ =	shalt  }
0x3f: {  	_ =	shalt  }
0x40: {  	_ =	shalt  }
0x41: {  	_ =	shalt  }
0x42: {  	_ =	shalt  }
0x43: {  	_ =	shalt  }
0x44: {  	_ =	shalt  }
0x45: {  	_ =	shalt  }
0x46: {  	_ =	shalt  }
0x47: {  	_ =	shalt  }
0x48: {  	_ =	shalt  }
0x49: {  	_ =	shalt  }
0x4a: {  	_ =	shalt  }
0x4b: {  	_ =	shalt  }
0x4c: {  	_ =	shalt  }
0x4d: {  	_ =	shalt  }
0x4e: {  	_ =	shalt  }
0x4f: {  	_ =	shalt  }
0x50: {  	_ =	shalt  }
0x51: {  	_ =	shalt  }
0x52: {  	_ =	shalt  }
0x53: {  	_ =	shalt  }
0x54: {  	_ =	shalt  }
0x55: {  	_ =	shalt  }
0x56: {  	_ =	shalt  }
0x57: {  	_ =	shalt  }
0x58: {  	_ =	shalt  }
0x59: {  	_ =	shalt  }
0x5a: {  	_ =	shalt  }
0x5b: {  	_ =	shalt  }
0x5c: {  	_ =	shalt  }
0x5d: {  	_ =	shalt  }
0x5e: {  	_ =	shalt  }
0x5f: {  	_ =	shalt  }
0x60: {  	_ =	shalt  }
0x61: {  	_ =	shalt  }
0x62: {  	_ =	shalt  }
0x63: {  	_ =	shalt  }
0x64: {  	_ =	shalt  }
0x65: {  	_ =	shalt  }
0x66: {  	_ =	shalt  }
0x67: {  	_ =	shalt  }
0x68: {  	_ =	shalt  }
0x69: {  	_ =	shalt  }
0x6a: {  	_ =	shalt  }
0x6b: {  	_ =	shalt  }
0x6c: {  	_ =	shalt  }
0x6d: {  	_ =	shalt  }
0x6e: {  	_ =	shalt  }
0x6f: {  	_ =	shalt  }
0x70: {  	_ =	shalt  }
0x71: {  	_ =	shalt  }
0x72: {  	_ =	shalt  }
0x73: {  	_ =	shalt  }
0x74: {  	_ =	shalt  }
0x75: {  	_ =	shalt  }
0x76: {  	_ =	shalt  }
0x77: {  	_ =	shalt  }
0x78: {  	_ =	shalt  }
0x79: {  	_ =	shalt  }
0x7a: {  	_ =	shalt  }
0x7b: {  	_ =	shalt  }
0x7c: {  	_ =	shalt  }
0x7d: {  	_ =	shalt  }
0x7e: {  	_ =	shalt  }
0x7f: {  	_ =	shalt  }
0x80: {  	_ =	shalt  }
0x81: {  	_ =	shalt  }
0x82: {  	_ =	shalt  }
0x83: {  	_ =	shalt  }
0x84: {  	_ =	shalt  }
0x85: {  	_ =	shalt  }
0x86: {  	_ =	shalt  }
0x87: {  	_ =	shalt  }
.Lfunc_end0:
.L_simem_size_0:
called_computation_lowered:
.L_overlay_start_0:
0x88: {  	s2 =	sld [smem:$0x3FD9]  }
0x89: {  	s3 =	sld [smem:$0x3FFE];
	_ =	sdelay $0x1  }
0x8a: {  	s1 =	srdreg.scid  }
0x8b: {  	s0 =	sand.u32 $0x1, s1  }
0x8c: {  	s17 =	sshll.u32 s0, $0xA;
	s2 =	sadd.s32 s3, s2  }
0x8d: {  	s2 =	sadd.s32 s2, s17  }
0x8e: {  	[smem:$0x3FC6] =	sst s2  }
0x8f: {  	_ = 	snop  }
0x90: {  	s2 =	sld [smem:$0x3FC9]  }
0x91: {  	s18 =	sld [smem:$0x3FD0];
	(tm) =	ssettm $0x1  }
0x92: {  	s4 =	sld [smem:$0x3FFB];
	_ =	sdelay $0x3  }
0x93: {  	_ =	strace s4  }
0x94: {  	s4 =	sld [smem:$0x3FFC];
	_ =	sdelay $0x3  }
0x95: {  	_ =	strace s4  }
0x96: {  	s4 =	sld [smem:$0x3FFD];
	_ =	sdelay $0x3  }
0x97: {  	_ =	strace s4  }
0x98: {  	_ =	strace $0x8FFFFFFF  }
0x99: {  	s19 =	sld [smem:$0x3FDB];
	_ =	sdelay $0x1  }
0x9a: {  	s5 =	simm.s32 $_scs_section_size  }
0x9b: {  	s6 =	simm.s32 $_size__tile_overlayer_lowered;
	s7 =	simm.s32 $_tile_overlayer_lowered  }
0x9c: {  	s22 =	simm.s32 $0x1BFF;
	s21 =	sshll.u32 s7, $0x1;
	s4 =	sadd.s32 s5, s19  }
0x9d: {  	s8 =	simm.s32 $0x0;
	s20 =	sshll.u32 s6, $0x1;
	s6 =	sadd.s32 s21, s4  }
0x9e: {  	[timem:s8], [sflag:s22] =	dma.local [hbm:s6], s20  }
0x9f: {  	_ =	swait.ge [sflag:s22], s20  }
0xa0: {  	s5 =	ssub.s32 $0x0, s20;
	[sflag:s22] =	ssyncset.done $0x0  }
0xa1: {  	[sflag:s22] =	ssyncadd.s32 s5;
	_ =	sdelay $0x1  }
0xa2: {  	s23 =	simm.s32 $0x1B8B  }
0xa3: {  	_ =	swait.ge [sflag:s23], $0x1  }
0xa4: {  	[sflag:s23] =	ssyncset.done $0x0  }
0xa5: {  	s25 =	simm.s32 $0x1B8E;
	s24 =	sld [smem:$0x3FFE];
	[sflag:s23] =	ssyncadd.s32 $0xFFFFFFFF  }
0xa6: {  	s26 =	simm.s32 $execute0_lowered;
	[smem:$0x3FD2] =	sst s25  }
0xa7: {  	s6 =	sshll.u32 s26, $0x1;
	_ =	strace $0x80000046;
	[dreg:$0x1] =	wrdreg $0xFFFFFFFF  }
0xa8: {  	s28 =	simm.s32 $_size_execute0_lowered;
	s4 =	sadd.s32 s4, s6;
	[dreg:$0x0] =	wrdreg $0x0  }
0xa9: {  	s6 =	sshll.u32 s28, $0x1;
	[dreg:$0x2] =	wrdreg s4  }
0xaa: {  	[dreg:$0x3] =	wrdreg s6  }
0xab: {  	[dreg:$0x4] =	wrdreg $0xC0  }
0xac: {  	_ =	task [dreg:s8], $0x5FFFF  }
0xad: {  	[dreg:$0x1] =	wrdreg $0xFFFFFFFF  }
0xae: {  	[dreg:$0x0] =	wrdreg $0x60  }
0xaf: {  	[dreg:$0x2] =	wrdreg s2  }
0xb0: {  	[dreg:$0x3] =	wrdreg s18  }
0xb1: {  	[dreg:$0x4] =	wrdreg s24  }
0xb2: {  	[dreg:$0x5] =	wrdreg $0x9  }
0xb3: {  	_ =	task.clear_ibuf [dreg:s8], $0x6FFFF;
	_ =	strace $0x90000046  }
0xb4: {  	s29 =	simm.s32 $0x9;
	_ =	strace $0x80000048  }
0xb5: {  	_ =	swait.ge [sflag:s29], $0x1  }
0xb6: {  	[sflag:s29] =	ssyncadd.s32 $0xFFFFFFFF  }
0xb7: {  	_ =	strace $0x90000048  }
0xb8: {  	_ =	sfence  }
0xb9: {  	s30 =	sld [smem:$0x0];
	_ =	sdelay $0x2  }
0xba: {  	s31 =	sshll.u32 s1, $0xD;
	s1 =	sshrl.u32 s1, $0x2  }
0xbb: {  	s3 =	sand.u32 $0x4000, s31;
	s1 =	sadd.s32 s1, s30  }
0xbc: {  	s0 =	sor.u32 s3, s0;
	s1 =	sshll.u32 s1, $0x11  }
0xbd: {  	s0 =	sor.u32 s1, s0  }
0xbe: {  	s0 =	sadd.s32 $0x8F2B, s0  }
0xbf: {  	[sflag:s0] =	ssyncadd.remote.s32 $0x1  }
0xc0: {  	_ =	sfence.sel $0xFFFF  }
0xc1: {  	[dreg:$0x0] =	wrdreg $0xFFFFFFFF;
	(pc) =	sbr.abs _section_cstart, $3  }
0xc2: {  	[dreg:$0x1] =	wrdreg $0xFFFFFFFF  }
0xc3: {  	_ =	task.clear_ibuf [dreg:s8], $0x2FFFF;
	_ =	strace $0x9FFFFFFF  }
0xc4: {  	(tm) =	ssettm $0x7FFFFFFF  }
0xc5: {  	_ =	shalt  }
tec
execute0_lowered:
.L_overlay_start_1:
0x0: {  	(tag) =	ssettag $0x1  }
0x1: {  	s1 =	srdreg.scid;
	s0 =	stileid.u32  }
0x2: {  	s2 =	rddreg [dreg:$0x0];
	s17 =	sand.u32 $0x1, s1;
	s30 =	sshll.u32 s0, $0x1  }
0x3: {  	s15 =	rddreg [dreg:$0x1];
	s8 =	sor.u32 s17, s30  }
0x4: {  	s16 =	rddreg [dreg:$0x2];
	s18 =	smul.u32 $0xC80, s8  }
0x5: {  	s3 =	simm.s32 $0x0;
	s1 =	rddreg [dreg:$0x3]  }
0x6: {  	[smem:$0x7FF] =	sst s3;
	s4 =	sshrl.u32 s18, $0x3  }
0x7: {  	_ =	strace $0x80000047;
	s5 =	sadd.s32 s15, s4;
	s4 =	simm.s32 $0x2  }
0x8: {  	[tilespmem:s3], [sflag:$0x2] =	stream.linear.gather [hbm4b:s5+s3], $0x280, $0x38;
	[tilespmem:$0x14280] =	vst v63  }
0x9: {  	_ =	swait.ge [sflag:s4], $0x280  }
0xa: {  	[sflag:s4] =	ssyncset.done $0x0  }
0xb: {  	s6 =	simm.s32 $0x280;
	s7 =	simm.s32 $0x1;
	[sflag:s4] =	ssyncadd.s32 $0xFFFFFD80  }
0xc: {  	[tilespmem:s6], [sflag:$0x1] =	stream.indirect.gather [hbm4b:s2+s6], $0x80, s3, s6, $0xb8;
	[tilespmem:$0x14280] =	vst v63  }
0xd: {  	s8 =	smul.u32 $0xC800, s8;
	_ =	swait.ge [sflag:s7], $0x14000  }
0xe: {  	[sflag:s7] =	ssyncset.done $0x0  }
0xf: {  	s8 =	sadd.s32 s16, s8;
	[sflag:s7] =	ssyncadd.s32 $0xFFFEC000  }
0x10: {  	[hbm4b:s8+s3] =	stream.linear.scatter [tilespmem:s6], [sflag:$0x2], $0x14000, $0x38;
	[tilespmem:$0x14280] =	vst v63  }
0x11: {  	s10 =	sadd.s32 $0x280, s18;
	_ =	swait.ge [sflag:s4], $0x14000  }
0x12: {  	s9 =	sshrl.u32 s10, $0x3;
	[sflag:s4] =	ssyncset.done $0x0  }
0x13: {  	s9 =	sadd.s32 s15, s9;
	[sflag:s4] =	ssyncadd.s32 $0xFFFEC000  }
0x14: {  	[tilespmem:s3], [sflag:$0x2] =	stream.linear.gather [hbm4b:s9+s3], $0x280, $0x38;
	[tilespmem:$0x14280] =	vst v63  }
0x15: {  	_ =	swait.ge [sflag:s4], $0x280  }
0x16: {  	[sflag:s4] =	ssyncset.done $0x0  }
0x17: {  	[sflag:s4] =	ssyncadd.s32 $0xFFFFFD80  }
0x18: {  	[tilespmem:s6], [sflag:$0x1] =	stream.indirect.gather [hbm4b:s2+s6], $0x80, s3, s6, $0xb8;
	[tilespmem:$0x14280] =	vst v63  }
0x19: {  	_ =	swait.ge [sflag:s7], $0x14000  }
0x1a: {  	s10 =	sshll.u32 s10, $0x4;
	[sflag:s7] =	ssyncset.done $0x0  }
0x1b: {  	s10 =	sadd.s32 s16, s10;
	[sflag:s7] =	ssyncadd.s32 $0xFFFEC000  }
0x1c: {  	[hbm4b:s10+s3] =	stream.linear.scatter [tilespmem:s6], [sflag:$0x2], $0x14000, $0x38;
	[tilespmem:$0x14280] =	vst v63  }
0x1d: {  	s12 =	sadd.s32 $0x500, s18;
	_ =	swait.ge [sflag:s4], $0x14000  }
0x1e: {  	s11 =	sshrl.u32 s12, $0x3;
	[sflag:s4] =	ssyncset.done $0x0  }
0x1f: {  	s11 =	sadd.s32 s15, s11;
	[sflag:s4] =	ssyncadd.s32 $0xFFFEC000  }
0x20: {  	[tilespmem:s3], [sflag:$0x2] =	stream.linear.gather [hbm4b:s11+s3], $0x280, $0x38;
	[tilespmem:$0x14280] =	vst v63  }
0x21: {  	_ =	swait.ge [sflag:s4], $0x280  }
0x22: {  	[sflag:s4] =	ssyncset.done $0x0  }
0x23: {  	[sflag:s4] =	ssyncadd.s32 $0xFFFFFD80  }
0x24: {  	[tilespmem:s6], [sflag:$0x1] =	stream.indirect.gather [hbm4b:s2+s6], $0x80, s3, s6, $0xb8;
	[tilespmem:$0x14280] =	vst v63  }
0x25: {  	_ =	swait.ge [sflag:s7], $0x14000  }
0x26: {  	s12 =	sshll.u32 s12, $0x4;
	[sflag:s7] =	ssyncset.done $0x0  }
0x27: {  	s12 =	sadd.s32 s16, s12;
	[sflag:s7] =	ssyncadd.s32 $0xFFFEC000  }
0x28: {  	[hbm4b:s12+s3] =	stream.linear.scatter [tilespmem:s6], [sflag:$0x2], $0x14000, $0x38;
	[tilespmem:$0x14280] =	vst v63  }
0x29: {  	s14 =	sadd.s32 $0x780, s18;
	_ =	swait.ge [sflag:s4], $0x14000  }
0x2a: {  	s13 =	sshrl.u32 s14, $0x3;
	[sflag:s4] =	ssyncset.done $0x0  }
0x2b: {  	s13 =	sadd.s32 s15, s13;
	[sflag:s4] =	ssyncadd.s32 $0xFFFEC000  }
0x2c: {  	[tilespmem:s3], [sflag:$0x2] =	stream.linear.gather [hbm4b:s13+s3], $0x280, $0x38;
	[tilespmem:$0x14280] =	vst v63  }
0x2d: {  	_ =	swait.ge [sflag:s4], $0x280  }
0x2e: {  	[sflag:s4] =	ssyncset.done $0x0  }
0x2f: {  	[sflag:s4] =	ssyncadd.s32 $0xFFFFFD80  }
0x30: {  	[tilespmem:s6], [sflag:$0x1] =	stream.indirect.gather [hbm4b:s2+s6], $0x80, s3, s6, $0xb8;
	[tilespmem:$0x14280] =	vst v63  }
0x31: {  	_ =	swait.ge [sflag:s7], $0x14000  }
0x32: {  	s14 =	sshll.u32 s14, $0x4;
	[sflag:s7] =	ssyncset.done $0x0  }
0x33: {  	s14 =	sadd.s32 s16, s14;
	[sflag:s7] =	ssyncadd.s32 $0xFFFEC000  }
0x34: {  	[hbm4b:s14+s3] =	stream.linear.scatter [tilespmem:s6], [sflag:$0x2], $0x14000, $0x38;
	[tilespmem:$0x14280] =	vst v63  }
0x35: {  	s18 =	sadd.s32 $0xA00, s18;
	_ =	swait.ge [sflag:s4], $0x14000  }
0x36: {  	s19 =	sshrl.u32 s18, $0x3;
	[sflag:s4] =	ssyncset.done $0x0  }
0x37: {  	s17 =	ssub.s32 $0x2, s17;
	s15 =	sadd.s32 s15, s19;
	[sflag:s4] =	ssyncadd.s32 $0xFFFEC000  }
0x38: {  	[tilespmem:s3], [sflag:$0x2] =	stream.linear.gather [hbm4b:s15+s3], $0x280, $0x38;
	[tilespmem:$0x14280] =	vst v63  }
0x39: {  	s31 =	sshrl.u32 s17, $0x1;
	_ =	swait.ge [sflag:s4], $0x280  }
0x3a: {  	s17 =	ssub.s32 s17, s31;
	[sflag:s4] =	ssyncset.done $0x0  }
0x3b: {  	s17 =	smax.u32 s17, $0x1;
	[sflag:s4] =	ssyncadd.s32 $0xFFFFFD80  }
0x3c: {  	[tilespmem:s6], [sflag:$0x1] =	stream.indirect.gather [hbm4b:s2+s6], $0x80, s3, s6, $0xb8;
	[tilespmem:$0x14280] =	vst v63  }
0x3d: {  	p0 =	sne.s32 s17, $0x1;
	_ =	swait.ge [sflag:s7], $0x14000  }
.Ltmp0:
0x3e: {  	s18 =	sshll.u32 s18, $0x4;
	[sflag:s7] =	ssyncset.done $0x0;
	(pc) =	sbr.rel @!p0 .LBB2_2-.Ltmp0, $4  }
0x3f: {  	s16 =	sadd.s32 s16, s18;
	[sflag:s7] =	ssyncadd.s32 $0xFFFEC000  }
0x40: {  	[hbm4b:s16+s3] =	stream.linear.scatter [tilespmem:s6], [sflag:$0x2], $0x14000, $0x38;
	[tilespmem:$0x14280] =	vst v63  }
0x41: {  	_ =	swait.ge [sflag:s4], $0x14000  }
0x42: {  	s17 =	sadd.s32 $0xFFFFFFFF, s17;
	[sflag:s4] =	ssyncset.done $0x0  }
.LBB2_1:
0x43: {  	p0 =	sne.s32 s17, $0x1;
	s17 =	sadd.s32 $0xFFFFFFFF, s17;
	[sflag:s4] =	ssyncadd.s32 $0xFFFEC000  }
0x44: {  	[tilespmem:s3], [sflag:$0x2] =	stream.linear.gather [hbm4b:s5+s3], $0x280, $0x38;
	[tilespmem:$0x14280] =	vst v63  }
0x45: {  	_ =	swait.ge [sflag:s4], $0x280  }
0x46: {  	[sflag:s4] =	ssyncset.done $0x0  }
0x47: {  	[sflag:s4] =	ssyncadd.s32 $0xFFFFFD80  }
0x48: {  	[tilespmem:s6], [sflag:$0x1] =	stream.indirect.gather [hbm4b:s2+s6], $0x80, s3, s6, $0xb8;
	[tilespmem:$0x14280] =	vst v63  }
0x49: {  	_ =	swait.ge [sflag:s7], $0x14000  }
0x4a: {  	[sflag:s7] =	ssyncset.done $0x0  }
0x4b: {  	[sflag:s7] =	ssyncadd.s32 $0xFFFEC000  }
0x4c: {  	[hbm4b:s8+s3] =	stream.linear.scatter [tilespmem:s6], [sflag:$0x2], $0x14000, $0x38;
	[tilespmem:$0x14280] =	vst v63  }
0x4d: {  	_ =	swait.ge [sflag:s4], $0x14000  }
0x4e: {  	[sflag:s4] =	ssyncset.done $0x0  }
0x4f: {  	[sflag:s4] =	ssyncadd.s32 $0xFFFEC000  }
0x50: {  	[tilespmem:s3], [sflag:$0x2] =	stream.linear.gather [hbm4b:s9+s3], $0x280, $0x38;
	[tilespmem:$0x14280] =	vst v63  }
0x51: {  	_ =	swait.ge [sflag:s4], $0x280  }
0x52: {  	[sflag:s4] =	ssyncset.done $0x0  }
0x53: {  	[sflag:s4] =	ssyncadd.s32 $0xFFFFFD80  }
0x54: {  	[tilespmem:s6], [sflag:$0x1] =	stream.indirect.gather [hbm4b:s2+s6], $0x80, s3, s6, $0xb8;
	[tilespmem:$0x14280] =	vst v63  }
0x55: {  	_ =	swait.ge [sflag:s7], $0x14000  }
0x56: {  	[sflag:s7] =	ssyncset.done $0x0  }
0x57: {  	[sflag:s7] =	ssyncadd.s32 $0xFFFEC000  }
0x58: {  	[hbm4b:s10+s3] =	stream.linear.scatter [tilespmem:s6], [sflag:$0x2], $0x14000, $0x38;
	[tilespmem:$0x14280] =	vst v63  }
0x59: {  	_ =	swait.ge [sflag:s4], $0x14000  }
0x5a: {  	[sflag:s4] =	ssyncset.done $0x0  }
0x5b: {  	[sflag:s4] =	ssyncadd.s32 $0xFFFEC000  }
0x5c: {  	[tilespmem:s3], [sflag:$0x2] =	stream.linear.gather [hbm4b:s11+s3], $0x280, $0x38;
	[tilespmem:$0x14280] =	vst v63  }
0x5d: {  	_ =	swait.ge [sflag:s4], $0x280  }
0x5e: {  	[sflag:s4] =	ssyncset.done $0x0  }
0x5f: {  	[sflag:s4] =	ssyncadd.s32 $0xFFFFFD80  }
0x60: {  	[tilespmem:s6], [sflag:$0x1] =	stream.indirect.gather [hbm4b:s2+s6], $0x80, s3, s6, $0xb8;
	[tilespmem:$0x14280] =	vst v63  }
0x61: {  	_ =	swait.ge [sflag:s7], $0x14000  }
0x62: {  	[sflag:s7] =	ssyncset.done $0x0  }
0x63: {  	[sflag:s7] =	ssyncadd.s32 $0xFFFEC000  }
0x64: {  	[hbm4b:s12+s3] =	stream.linear.scatter [tilespmem:s6], [sflag:$0x2], $0x14000, $0x38;
	[tilespmem:$0x14280] =	vst v63  }
0x65: {  	_ =	swait.ge [sflag:s4], $0x14000  }
0x66: {  	[sflag:s4] =	ssyncset.done $0x0  }
0x67: {  	[sflag:s4] =	ssyncadd.s32 $0xFFFEC000  }
0x68: {  	[tilespmem:s3], [sflag:$0x2] =	stream.linear.gather [hbm4b:s13+s3], $0x280, $0x38;
	[tilespmem:$0x14280] =	vst v63  }
0x69: {  	_ =	swait.ge [sflag:s4], $0x280  }
0x6a: {  	[sflag:s4] =	ssyncset.done $0x0  }
0x6b: {  	[sflag:s4] =	ssyncadd.s32 $0xFFFFFD80  }
0x6c: {  	[tilespmem:s6], [sflag:$0x1] =	stream.indirect.gather [hbm4b:s2+s6], $0x80, s3, s6, $0xb8;
	[tilespmem:$0x14280] =	vst v63  }
0x6d: {  	_ =	swait.ge [sflag:s7], $0x14000  }
0x6e: {  	[sflag:s7] =	ssyncset.done $0x0  }
0x6f: {  	[sflag:s7] =	ssyncadd.s32 $0xFFFEC000  }
0x70: {  	[hbm4b:s14+s3] =	stream.linear.scatter [tilespmem:s6], [sflag:$0x2], $0x14000, $0x38;
	[tilespmem:$0x14280] =	vst v63  }
0x71: {  	_ =	swait.ge [sflag:s4], $0x14000  }
0x72: {  	[sflag:s4] =	ssyncset.done $0x0  }
0x73: {  	[sflag:s4] =	ssyncadd.s32 $0xFFFEC000  }
0x74: {  	[tilespmem:s3], [sflag:$0x2] =	stream.linear.gather [hbm4b:s15+s3], $0x280, $0x38;
	[tilespmem:$0x14280] =	vst v63  }
0x75: {  	_ =	swait.ge [sflag:s4], $0x280  }
0x76: {  	[sflag:s4] =	ssyncset.done $0x0  }
0x77: {  	[sflag:s4] =	ssyncadd.s32 $0xFFFFFD80  }
0x78: {  	[tilespmem:s6], [sflag:$0x1] =	stream.indirect.gather [hbm4b:s2+s6], $0x80, s3, s6, $0xb8;
	[tilespmem:$0x14280] =	vst v63  }
0x79: {  	_ =	swait.ge [sflag:s7], $0x14000  }
.Ltmp1:
0x7a: {  	[sflag:s7] =	ssyncset.done $0x0;
	(pc) =	sbr.rel @p0 .LBB2_1-.Ltmp1, $4  }
0x7b: {  	[sflag:s7] =	ssyncadd.s32 $0xFFFEC000  }
0x7c: {  	[hbm4b:s16+s3] =	stream.linear.scatter [tilespmem:s6], [sflag:$0x2], $0x14000, $0x38;
	[tilespmem:$0x14280] =	vst v63  }
0x7d: {  	_ =	swait.ge [sflag:s4], $0x14000  }
0x7e: {  	[sflag:s4] =	ssyncset.done $0x0  }
.LBB2_2:
0x7f: {  	[sflag:s4] =	ssyncadd.s32 $0xFFFEC000  }
0x80: {  	_ =	sfence.sel $0x180000  }
0x81: {  	[bflag:$0x0] =	sbarrier.arrive $0xFFFF  }
0x82: {  	p0 =	sne.s32 s0, $0x0;
	_ =	strace $0x90000047  }
0x83: {  	s0 =	sadd.s32 @!p0 $0x100000, s1;
	[bflag:$0x2] =	sbarrier.arrive $0xFFFF  }
0x84: {  	[sflag:s0] =	ssyncadd.tile.s32 @!p0 $0x1;
	_ =	shalt  }
.Lfunc_end2:
_tile_overlayer_lowered:
.L_overlay_start_2:
0x85: {  	(tag) =	ssettag $0x2  }
0x86: {  	s0 =	rddreg [dreg:$0x0];
	s2 =	stileid.u32  }
0x87: {  	s1 =	rddreg [dreg:$0x1];
	p0 =	sne.s32 s2, $0x0  }
0x88: {  	s3 =	rddreg [dreg:$0x2];
	[bflag:$0x3] =	sbarrier.arrive $0xFFFF;
	s2 =	simm.s32 @!p0 $0x1C02  }
0x89: {  	[timem:s3], [sflag:s2] =	dma.local @!p0 [hbm:s0], s1  }
0x8a: {  	s0 =	simm.s32 @!p0 $0x2  }
0x8b: {  	_ =	swait.ge @!p0 [sflag:s0], s1  }
0x8c: {  	s1 =	ssub.s32 @!p0 $0x0, s1;
	[sflag:s0] =	ssyncset.done @!p0 $0x0  }
0x8d: {  	[sflag:s0] =	ssyncadd.s32 @!p0 s1  }
0x8e: {  	[bflag:$0x3] =	sbarrier.arrive $0xFFFF  }
0x8f: {  	_ =	shalt  }

</sc_bundles>
